<compile_context>
chip_gen: v7x
topology: tpu7x:2x2x1
jax: 0.10.2.dev20260603
libtpu: 0.0.44.dev20260713+nightly
codegen_flags: <defaults>
</compile_context>

<pallas_src>
import functools

import jax
import jax.numpy as jnp
from jax import lax
from jax.experimental import pallas as pl
from jax.experimental.pallas import tpu as pltpu
from jax.experimental.pallas import tpu_sc as plsc

_N_ROWS = 16384
_D_IN = 64
_D = 32
_V = 8192

_BR = 256
_NB = _N_ROWS // _BR


_CS = 4096


def _argmin_body(xst_ref, cb_ref, xs2_ref, cb2_ref, idx_ref, xse_ref, x2e_ref,
                 c2e_ref, cbe_ref, xs_scr):
    xs_scr[:] = xst_ref[:].T
    xs = xs_scr[:]
    dots = lax.dot_general(
        xs, cb_ref[:], (((1,), (1,)), ((), ())), preferred_element_type=jnp.float32
    )
    dist = (xs2_ref[:] + cb2_ref[:]) - 2.0 * dots
    acc = jnp.full((_BR, 1), jnp.inf, jnp.float32)
    ai = jnp.zeros((_BR, 1), jnp.int32)
    for c in range(_V // _CS):
        seg = dist[:, c * _CS:(c + 1) * _CS]
        v = jnp.min(seg, axis=1, keepdims=True)
        ids = lax.broadcasted_iota(jnp.int32, seg.shape, 1) + jnp.int32(c * _CS)
        k = jnp.min(jnp.where(seg == v, ids, jnp.int32(_V)), axis=1, keepdims=True)
        take = v < acc
        acc = jnp.where(take, v.astype(jnp.bfloat16).astype(jnp.float32), acc)
        ai = jnp.where(take, k, ai)
    idx_ref[:] = ai[None]
    xse_ref[:] = xs
    x2e_ref[:] = xs2_ref[:]
    c2e_ref[:] = cb2_ref[:]
    cbe_ref[:] = cb_ref[:]


def _argmin_indices(inputs, W_body, b_body, codebook):
    xs = jnp.dot(inputs, W_body) + b_body
    xs2 = (xs**2).sum(axis=1, keepdims=True)
    cb2 = (codebook**2).sum(axis=1).reshape(1, _V)
    idx3 = pl.pallas_call(
        _argmin_body,
        grid=(_NB,),
        in_specs=[
            pl.BlockSpec((_D, _BR), lambda i: (0, i)),
            pl.BlockSpec((_V, _D), lambda i: (0, 0)),
            pl.BlockSpec((_BR, 1), lambda i: (i, 0)),
            pl.BlockSpec((1, _V), lambda i: (0, 0)),
        ],
        out_specs=[
            pl.BlockSpec((1, _BR, 1), lambda i: (i, 0, 0)),
            pl.BlockSpec((_BR, _D), lambda i: (i, 0)),
            pl.BlockSpec((_BR, 1), lambda i: (i, 0)),
            pl.BlockSpec((1, _V), lambda i: (0, 0)),
            pl.BlockSpec((_V, _D), lambda i: (0, 0)),
        ],
        out_shape=[
            jax.ShapeDtypeStruct((_NB, _BR, 1), jnp.int32),
            jax.ShapeDtypeStruct((_N_ROWS, _D), jnp.float32),
            jax.ShapeDtypeStruct((_N_ROWS, 1), jnp.float32),
            jax.ShapeDtypeStruct((1, _V), jnp.float32),
            jax.ShapeDtypeStruct((_V, _D), jnp.float32),
        ],
        scratch_shapes=[pltpu.VMEM((_BR, _D), jnp.float32)],
    )(xs.T, codebook, xs2, cb2)
    idx3, xse, _, _, cbe = idx3
    return idx3.reshape(_N_ROWS), xse, cbe


def _sc_gather(codebook, idx):
    info = plsc.get_sparse_core_info()
    nc, ns = info.num_cores, info.num_subcores
    nw = nc * ns
    b_per_w = _N_ROWS // nw
    ch = 128
    nch = b_per_w // ch
    idx3 = idx.reshape(nw, nch, ch)
    mesh = plsc.VectorSubcoreMesh(core_axis_name="c", subcore_axis_name="s")

    @functools.partial(
        pl.kernel,
        mesh=mesh,
        out_type=jax.ShapeDtypeStruct((_N_ROWS, _D), jnp.float32),
        scratch_types=[
            pltpu.VMEM((nch, ch), jnp.int32),
            pltpu.VMEM((b_per_w, _D), jnp.float32),
            pltpu.SemaphoreType.DMA,
        ],
        compiler_params=pltpu.CompilerParams(use_tc_tiling_on_sc=False),
    )
    def k(cb_hbm, idx_hbm, out_hbm, idx_v, rows_v, sem):
        wid = lax.axis_index("s") * nc + lax.axis_index("c")
        pltpu.sync_copy(idx_hbm.at[wid], idx_v)
        for j in range(nch):
            pltpu.async_copy(
                cb_hbm.at[idx_v.at[j]], rows_v.at[pl.ds(j * ch, ch)], sem
            ).wait()
        pltpu.sync_copy(rows_v, out_hbm.at[pl.ds(wid * b_per_w, b_per_w)])

    return k(codebook, idx3)


def kernel(inputs, W_body, b_body, codebook):
    idx, xse, cbe = _argmin_indices(inputs, W_body, b_body, codebook)
    out = _sc_gather(cbe, idx)
    return xse + jax.lax.stop_gradient(out - xse)

# --- scband reference (transcript-rebuilt; emitter-appended) ---
"""Pipeline reference for scband-vqabstract-encoder-515396076053 (READ-ONLY COPY).

The authoritative reference and input builder live on the scoring server;
editing this copy changes nothing except your own understanding.
"""

import jax, jax.numpy as jnp
import numpy as np


def setup_inputs(seed: int = 0) -> dict:
    key = jax.random.key(seed)
    k1, k2, k3 = jax.random.split(key, 3)
    inputs = jax.random.normal(k1, (16384, 64), dtype=jnp.float32)
    # body: simple linear feature extractor mapping d_in=64 -> feature_dim=32 (== embed_dim)
    W_body = jax.random.normal(k2, (64, 32), dtype=jnp.float32) * (1.0 / np.sqrt(64.0))
    b_body = jnp.zeros((32,), dtype=jnp.float32)
    # learned VQ codebook: nn.Embedding(n_embed=8192, embed_dim=32)
    codebook = jax.random.normal(k3, (8192, 32), dtype=jnp.float32)
    return {"inputs": inputs, "W_body": W_body, "b_body": b_body, "codebook": codebook}


def reference(inputs, W_body, b_body, codebook):
    # get_features: xs = body(inputs)
    xs = inputs @ W_body + b_body
    # get_indices: squared-euclidean distance to every codebook entry
    distance = (xs ** 2).sum(axis=1, keepdims=True) + (codebook ** 2).sum(axis=1) - 2.0 * (xs @ codebook.T)
    # abstract_type == 'max' -> argmin over codebook
    indices = jnp.argmin(distance, axis=1)
    # get_embeddings: gather codebook rows (embedding lookup)
    output = jnp.take(codebook, indices, axis=0)
    # straight-through estimator
    output_x = xs + jax.lax.stop_gradient(output - xs)
    return output_x

if __name__ == "__main__":
    import jax
    _d = setup_inputs()
    print(jax.jit(kernel)(*tuple(_d.values())))

</pallas_src>

<mosaic_0001>
#map = affine_map<(d0, d1) -> (0, 0)>
#map1 = affine_map<(d0, d1) -> (0, 0, 0)>
module attributes {stable_mosaic.version = 14 : i64} {
  func.func @k(%arg0: i32, %arg1: i32, %arg2: memref<8192x32xf32, #tpu.memory_space<hbm>>, %arg3: memref<32x4x128xi32, #tpu.memory_space<hbm>>, %arg4: memref<16384x32xf32, #tpu.memory_space<hbm>>, %arg5: memref<4x128xi32, #tpu.memory_space<vmem>>, %arg6: memref<512x32xf32, #tpu.memory_space<vmem>>, %arg7: memref<!tpu.dma_semaphore, #tpu.memory_space<semaphore_mem>>) attributes {dimension_semantics = [#tpu.dimension_semantics<core_parallel>, #tpu.dimension_semantics<subcore_parallel>], iteration_bounds = array<i64: 2, 16>, scalar_prefetch = 0 : i64, scratch_operands = 3 : i64, tpu.core_type = #tpu.core_type<sc_vector_subcore>, window_params = [{transform_indices = #map}, {transform_indices = #map1}, {transform_indices = #map}]} {
    %mul3A = arith.constant 2 : i32
    %mul3A_0 = arith.muli %arg1, %mul3A : i32
    %add3A = arith.addi %mul3A_0, %arg0 : i32
    "tpu.region"() ({
      %run_scoped3A = tpu.sem_alloc : memref<!tpu.dma_semaphore, #tpu.memory_space<semaphore_mem>>
      %dma_start3A_81 = arith.constant 0 : i32
      %dma_start3A_82 = arith.constant 0 : i32
      %dma_start3A_83 = tpu.memref_slice %arg3[%add3A, %dma_start3A_81, %dma_start3A_82] : memref<32x4x128xi32, #tpu.memory_space<hbm>> -> memref<1x4x128xi32, #tpu.memory_space<hbm>>
      %dma_start3A_84 = tpu.memref_squeeze %dma_start3A_83 : memref<1x4x128xi32, #tpu.memory_space<hbm>> -> memref<4x128xi32, #tpu.memory_space<hbm>>
      %dma_start3A_85 = arith.constant 0 : i32
      %dma_start3A_86 = arith.constant 0 : i32
      %dma_start3A_87 = tpu.memref_slice %arg3[%add3A, %dma_start3A_85, %dma_start3A_86] : memref<32x4x128xi32, #tpu.memory_space<hbm>> -> memref<1x4x128xi32, #tpu.memory_space<hbm>>
      %dma_start3A_88 = tpu.memref_squeeze %dma_start3A_87 : memref<1x4x128xi32, #tpu.memory_space<hbm>> -> memref<4x128xi32, #tpu.memory_space<hbm>>
      tpu.enqueue_dma source(%dma_start3A_88 : memref<4x128xi32, #tpu.memory_space<hbm>>) target(%arg5 : memref<4x128xi32, #tpu.memory_space<vmem>>) target_semaphore(%run_scoped3A : memref<!tpu.dma_semaphore, #tpu.memory_space<semaphore_mem>>)
      %dma_wait3A_89 = arith.constant 0 : i32
      %dma_wait3A_90 = arith.constant 0 : i32
      %dma_wait3A_91 = tpu.memref_slice %arg3[%add3A, %dma_wait3A_89, %dma_wait3A_90] : memref<32x4x128xi32, #tpu.memory_space<hbm>> -> memref<1x4x128xi32, #tpu.memory_space<hbm>>
      %dma_wait3A_92 = tpu.memref_squeeze %dma_wait3A_91 : memref<1x4x128xi32, #tpu.memory_space<hbm>> -> memref<4x128xi32, #tpu.memory_space<hbm>>
      %dma_wait3A_93 = arith.constant 0 : i32
      %dma_wait3A_94 = arith.constant 0 : i32
      %dma_wait3A_95 = tpu.memref_slice %arg3[%add3A, %dma_wait3A_93, %dma_wait3A_94] : memref<32x4x128xi32, #tpu.memory_space<hbm>> -> memref<1x4x128xi32, #tpu.memory_space<hbm>>
      %dma_wait3A_96 = tpu.memref_squeeze %dma_wait3A_95 : memref<1x4x128xi32, #tpu.memory_space<hbm>> -> memref<4x128xi32, #tpu.memory_space<hbm>>
      tpu.wait_dma2 semaphore(%run_scoped3A : memref<!tpu.dma_semaphore, #tpu.memory_space<semaphore_mem>>) src(%dma_wait3A_96 : memref<4x128xi32, #tpu.memory_space<hbm>>) dst(%arg5 : memref<4x128xi32, #tpu.memory_space<vmem>>)
      tpu.yield
    }) : () -> ()
    %dma_start3A = arith.constant 0 : i32
    %dma_start3A_1 = arith.constant 0 : i32
    %dma_start3A_2 = arith.constant 0 : i32
    %dma_start3A_3 = tpu.memref_slice %arg6[%dma_start3A_1, %dma_start3A_2] : memref<512x32xf32, #tpu.memory_space<vmem>> -> memref<128x32xf32, #tpu.memory_space<vmem>>
    %dma_start3A_4 = arith.constant 0 : i32
    %dma_start3A_5 = tpu.memref_slice %arg5[%dma_start3A, %dma_start3A_4] : memref<4x128xi32, #tpu.memory_space<vmem>> -> memref<1x128xi32, #tpu.memory_space<vmem>>
    %dma_start3A_6 = tpu.memref_squeeze %dma_start3A_5 : memref<1x128xi32, #tpu.memory_space<vmem>> -> memref<128xi32, #tpu.memory_space<vmem>>
    %dma_start3A_7 = arith.constant 0 : i32
    %dma_start3A_8 = arith.constant 0 : i32
    %dma_start3A_9 = tpu.memref_slice %arg2[%dma_start3A_7, %dma_start3A_8] : memref<8192x32xf32, #tpu.memory_space<hbm>> -> memref<8192x32xf32, #tpu.memory_space<hbm>>
    tpu.enqueue_indirect_dma source(%dma_start3A_9 : memref<8192x32xf32, #tpu.memory_space<hbm>>) target(%dma_start3A_3 : memref<128x32xf32, #tpu.memory_space<vmem>>) offsets(%dma_start3A_6 : memref<128xi32, #tpu.memory_space<vmem>>) semaphore(%arg7 : memref<!tpu.dma_semaphore, #tpu.memory_space<semaphore_mem>>)
    %dma_wait3A = arith.constant 0 : i32
    %dma_wait3A_10 = arith.constant 0 : i32
    %dma_wait3A_11 = arith.constant 0 : i32
    %dma_wait3A_12 = tpu.memref_slice %arg6[%dma_wait3A_10, %dma_wait3A_11] : memref<512x32xf32, #tpu.memory_space<vmem>> -> memref<128x32xf32, #tpu.memory_space<vmem>>
    %dma_wait3A_13 = arith.constant 0 : i32
    %dma_wait3A_14 = tpu.memref_slice %arg5[%dma_wait3A, %dma_wait3A_13] : memref<4x128xi32, #tpu.memory_space<vmem>> -> memref<1x128xi32, #tpu.memory_space<vmem>>
    %dma_wait3A_15 = tpu.memref_squeeze %dma_wait3A_14 : memref<1x128xi32, #tpu.memory_space<vmem>> -> memref<128xi32, #tpu.memory_space<vmem>>
    %dma_wait3A_16 = arith.constant 0 : i32
    %dma_wait3A_17 = arith.constant 0 : i32
    %dma_wait3A_18 = tpu.memref_slice %arg2[%dma_wait3A_16, %dma_wait3A_17] : memref<8192x32xf32, #tpu.memory_space<hbm>> -> memref<8192x32xf32, #tpu.memory_space<hbm>>
    tpu.wait_indirect_dma semaphore(%arg7 : memref<!tpu.dma_semaphore, #tpu.memory_space<semaphore_mem>>) src(%dma_wait3A_18 : memref<8192x32xf32, #tpu.memory_space<hbm>>) dst(%dma_wait3A_12 : memref<128x32xf32, #tpu.memory_space<vmem>>)
    %dma_start3A_19 = arith.constant 1 : i32
    %dma_start3A_20 = arith.constant 128 : i32
    %dma_start3A_21 = arith.constant 0 : i32
    %dma_start3A_22 = tpu.memref_slice %arg6[%dma_start3A_20, %dma_start3A_21] : memref<512x32xf32, #tpu.memory_space<vmem>> -> memref<128x32xf32, #tpu.memory_space<vmem>>
    %dma_start3A_23 = arith.constant 0 : i32
    %dma_start3A_24 = tpu.memref_slice %arg5[%dma_start3A_19, %dma_start3A_23] : memref<4x128xi32, #tpu.memory_space<vmem>> -> memref<1x128xi32, #tpu.memory_space<vmem>>
    %dma_start3A_25 = tpu.memref_squeeze %dma_start3A_24 : memref<1x128xi32, #tpu.memory_space<vmem>> -> memref<128xi32, #tpu.memory_space<vmem>>
    %dma_start3A_26 = arith.constant 0 : i32
    %dma_start3A_27 = arith.constant 0 : i32
    %dma_start3A_28 = tpu.memref_slice %arg2[%dma_start3A_26, %dma_start3A_27] : memref<8192x32xf32, #tpu.memory_space<hbm>> -> memref<8192x32xf32, #tpu.memory_space<hbm>>
    tpu.enqueue_indirect_dma source(%dma_start3A_28 : memref<8192x32xf32, #tpu.memory_space<hbm>>) target(%dma_start3A_22 : memref<128x32xf32, #tpu.memory_space<vmem>>) offsets(%dma_start3A_25 : memref<128xi32, #tpu.memory_space<vmem>>) semaphore(%arg7 : memref<!tpu.dma_semaphore, #tpu.memory_space<semaphore_mem>>)
    %dma_wait3A_29 = arith.constant 1 : i32
    %dma_wait3A_30 = arith.constant 128 : i32
    %dma_wait3A_31 = arith.constant 0 : i32
    %dma_wait3A_32 = tpu.memref_slice %arg6[%dma_wait3A_30, %dma_wait3A_31] : memref<512x32xf32, #tpu.memory_space<vmem>> -> memref<128x32xf32, #tpu.memory_space<vmem>>
    %dma_wait3A_33 = arith.constant 0 : i32
    %dma_wait3A_34 = tpu.memref_slice %arg5[%dma_wait3A_29, %dma_wait3A_33] : memref<4x128xi32, #tpu.memory_space<vmem>> -> memref<1x128xi32, #tpu.memory_space<vmem>>
    %dma_wait3A_35 = tpu.memref_squeeze %dma_wait3A_34 : memref<1x128xi32, #tpu.memory_space<vmem>> -> memref<128xi32, #tpu.memory_space<vmem>>
    %dma_wait3A_36 = arith.constant 0 : i32
    %dma_wait3A_37 = arith.constant 0 : i32
    %dma_wait3A_38 = tpu.memref_slice %arg2[%dma_wait3A_36, %dma_wait3A_37] : memref<8192x32xf32, #tpu.memory_space<hbm>> -> memref<8192x32xf32, #tpu.memory_space<hbm>>
    tpu.wait_indirect_dma semaphore(%arg7 : memref<!tpu.dma_semaphore, #tpu.memory_space<semaphore_mem>>) src(%dma_wait3A_38 : memref<8192x32xf32, #tpu.memory_space<hbm>>) dst(%dma_wait3A_32 : memref<128x32xf32, #tpu.memory_space<vmem>>)
    %dma_start3A_39 = arith.constant 2 : i32
    %dma_start3A_40 = arith.constant 256 : i32
    %dma_start3A_41 = arith.constant 0 : i32
    %dma_start3A_42 = tpu.memref_slice %arg6[%dma_start3A_40, %dma_start3A_41] : memref<512x32xf32, #tpu.memory_space<vmem>> -> memref<128x32xf32, #tpu.memory_space<vmem>>
    %dma_start3A_43 = arith.constant 0 : i32
    %dma_start3A_44 = tpu.memref_slice %arg5[%dma_start3A_39, %dma_start3A_43] : memref<4x128xi32, #tpu.memory_space<vmem>> -> memref<1x128xi32, #tpu.memory_space<vmem>>
    %dma_start3A_45 = tpu.memref_squeeze %dma_start3A_44 : memref<1x128xi32, #tpu.memory_space<vmem>> -> memref<128xi32, #tpu.memory_space<vmem>>
    %dma_start3A_46 = arith.constant 0 : i32
    %dma_start3A_47 = arith.constant 0 : i32
    %dma_start3A_48 = tpu.memref_slice %arg2[%dma_start3A_46, %dma_start3A_47] : memref<8192x32xf32, #tpu.memory_space<hbm>> -> memref<8192x32xf32, #tpu.memory_space<hbm>>
    tpu.enqueue_indirect_dma source(%dma_start3A_48 : memref<8192x32xf32, #tpu.memory_space<hbm>>) target(%dma_start3A_42 : memref<128x32xf32, #tpu.memory_space<vmem>>) offsets(%dma_start3A_45 : memref<128xi32, #tpu.memory_space<vmem>>) semaphore(%arg7 : memref<!tpu.dma_semaphore, #tpu.memory_space<semaphore_mem>>)
    %dma_wait3A_49 = arith.constant 2 : i32
    %dma_wait3A_50 = arith.constant 256 : i32
    %dma_wait3A_51 = arith.constant 0 : i32
    %dma_wait3A_52 = tpu.memref_slice %arg6[%dma_wait3A_50, %dma_wait3A_51] : memref<512x32xf32, #tpu.memory_space<vmem>> -> memref<128x32xf32, #tpu.memory_space<vmem>>
    %dma_wait3A_53 = arith.constant 0 : i32
    %dma_wait3A_54 = tpu.memref_slice %arg5[%dma_wait3A_49, %dma_wait3A_53] : memref<4x128xi32, #tpu.memory_space<vmem>> -> memref<1x128xi32, #tpu.memory_space<vmem>>
    %dma_wait3A_55 = tpu.memref_squeeze %dma_wait3A_54 : memref<1x128xi32, #tpu.memory_space<vmem>> -> memref<128xi32, #tpu.memory_space<vmem>>
    %dma_wait3A_56 = arith.constant 0 : i32
    %dma_wait3A_57 = arith.constant 0 : i32
    %dma_wait3A_58 = tpu.memref_slice %arg2[%dma_wait3A_56, %dma_wait3A_57] : memref<8192x32xf32, #tpu.memory_space<hbm>> -> memref<8192x32xf32, #tpu.memory_space<hbm>>
    tpu.wait_indirect_dma semaphore(%arg7 : memref<!tpu.dma_semaphore, #tpu.memory_space<semaphore_mem>>) src(%dma_wait3A_58 : memref<8192x32xf32, #tpu.memory_space<hbm>>) dst(%dma_wait3A_52 : memref<128x32xf32, #tpu.memory_space<vmem>>)
    %dma_start3A_59 = arith.constant 3 : i32
    %dma_start3A_60 = arith.constant 384 : i32
    %dma_start3A_61 = arith.constant 0 : i32
    %dma_start3A_62 = tpu.memref_slice %arg6[%dma_start3A_60, %dma_start3A_61] : memref<512x32xf32, #tpu.memory_space<vmem>> -> memref<128x32xf32, #tpu.memory_space<vmem>>
    %dma_start3A_63 = arith.constant 0 : i32
    %dma_start3A_64 = tpu.memref_slice %arg5[%dma_start3A_59, %dma_start3A_63] : memref<4x128xi32, #tpu.memory_space<vmem>> -> memref<1x128xi32, #tpu.memory_space<vmem>>
    %dma_start3A_65 = tpu.memref_squeeze %dma_start3A_64 : memref<1x128xi32, #tpu.memory_space<vmem>> -> memref<128xi32, #tpu.memory_space<vmem>>
    %dma_start3A_66 = arith.constant 0 : i32
    %dma_start3A_67 = arith.constant 0 : i32
    %dma_start3A_68 = tpu.memref_slice %arg2[%dma_start3A_66, %dma_start3A_67] : memref<8192x32xf32, #tpu.memory_space<hbm>> -> memref<8192x32xf32, #tpu.memory_space<hbm>>
    tpu.enqueue_indirect_dma source(%dma_start3A_68 : memref<8192x32xf32, #tpu.memory_space<hbm>>) target(%dma_start3A_62 : memref<128x32xf32, #tpu.memory_space<vmem>>) offsets(%dma_start3A_65 : memref<128xi32, #tpu.memory_space<vmem>>) semaphore(%arg7 : memref<!tpu.dma_semaphore, #tpu.memory_space<semaphore_mem>>)
    %dma_wait3A_69 = arith.constant 3 : i32
    %dma_wait3A_70 = arith.constant 384 : i32
    %dma_wait3A_71 = arith.constant 0 : i32
    %dma_wait3A_72 = tpu.memref_slice %arg6[%dma_wait3A_70, %dma_wait3A_71] : memref<512x32xf32, #tpu.memory_space<vmem>> -> memref<128x32xf32, #tpu.memory_space<vmem>>
    %dma_wait3A_73 = arith.constant 0 : i32
    %dma_wait3A_74 = tpu.memref_slice %arg5[%dma_wait3A_69, %dma_wait3A_73] : memref<4x128xi32, #tpu.memory_space<vmem>> -> memref<1x128xi32, #tpu.memory_space<vmem>>
    %dma_wait3A_75 = tpu.memref_squeeze %dma_wait3A_74 : memref<1x128xi32, #tpu.memory_space<vmem>> -> memref<128xi32, #tpu.memory_space<vmem>>
    %dma_wait3A_76 = arith.constant 0 : i32
    %dma_wait3A_77 = arith.constant 0 : i32
    %dma_wait3A_78 = tpu.memref_slice %arg2[%dma_wait3A_76, %dma_wait3A_77] : memref<8192x32xf32, #tpu.memory_space<hbm>> -> memref<8192x32xf32, #tpu.memory_space<hbm>>
    tpu.wait_indirect_dma semaphore(%arg7 : memref<!tpu.dma_semaphore, #tpu.memory_space<semaphore_mem>>) src(%dma_wait3A_78 : memref<8192x32xf32, #tpu.memory_space<hbm>>) dst(%dma_wait3A_72 : memref<128x32xf32, #tpu.memory_space<vmem>>)
    %mul3A_79 = arith.constant 512 : i32
    %mul3A_80 = arith.muli %add3A, %mul3A_79 : i32
    "tpu.region"() ({
      %run_scoped3A = tpu.sem_alloc : memref<!tpu.dma_semaphore, #tpu.memory_space<semaphore_mem>>
      %dma_start3A_81 = arith.constant 0 : i32
      %dma_start3A_82 = tpu.memref_slice %arg4[%mul3A_80, %dma_start3A_81] : memref<16384x32xf32, #tpu.memory_space<hbm>> -> memref<512x32xf32, #tpu.memory_space<hbm>>
      %dma_start3A_83 = arith.constant 0 : i32
      %dma_start3A_84 = tpu.memref_slice %arg4[%mul3A_80, %dma_start3A_83] : memref<16384x32xf32, #tpu.memory_space<hbm>> -> memref<512x32xf32, #tpu.memory_space<hbm>>
      tpu.enqueue_dma source(%arg6 : memref<512x32xf32, #tpu.memory_space<vmem>>) target(%dma_start3A_84 : memref<512x32xf32, #tpu.memory_space<hbm>>) target_semaphore(%run_scoped3A : memref<!tpu.dma_semaphore, #tpu.memory_space<semaphore_mem>>)
      %dma_wait3A_85 = arith.constant 0 : i32
      %dma_wait3A_86 = tpu.memref_slice %arg4[%mul3A_80, %dma_wait3A_85] : memref<16384x32xf32, #tpu.memory_space<hbm>> -> memref<512x32xf32, #tpu.memory_space<hbm>>
      %dma_wait3A_87 = arith.constant 0 : i32
      %dma_wait3A_88 = tpu.memref_slice %arg4[%mul3A_80, %dma_wait3A_87] : memref<16384x32xf32, #tpu.memory_space<hbm>> -> memref<512x32xf32, #tpu.memory_space<hbm>>
      tpu.wait_dma2 semaphore(%run_scoped3A : memref<!tpu.dma_semaphore, #tpu.memory_space<semaphore_mem>>) src(%arg6 : memref<512x32xf32, #tpu.memory_space<vmem>>) dst(%dma_wait3A_88 : memref<512x32xf32, #tpu.memory_space<hbm>>)
      tpu.yield
    }) : () -> ()
    return
  }
}

module attributes {stable_mosaic.version = 14 : i64} {
  func.func @_argmin_body(%arg0: i32, %arg1: memref<32x256xf32, #tpu.memory_space<vmem>>, %arg2: memref<8192x32xf32, #tpu.memory_space<vmem>>, %arg3: memref<256x1xf32, #tpu.memory_space<vmem>>, %arg4: memref<1x8192xf32, #tpu.memory_space<vmem>>, %arg5: memref<1x256x1xi32, #tpu.memory_space<vmem>>, %arg6: memref<256x32xf32, #tpu.memory_space<vmem>>, %arg7: memref<256x1xf32, #tpu.memory_space<vmem>>, %arg8: memref<1x8192xf32, #tpu.memory_space<vmem>>, %arg9: memref<8192x32xf32, #tpu.memory_space<vmem>>, %arg10: memref<256x32xf32, #tpu.memory_space<vmem>>) attributes {dimension_semantics = [#tpu.dimension_semantics<arbitrary>], iteration_bounds = array<i64: 64>, scalar_prefetch = 0 : i64, scratch_operands = 1 : i64, tpu.core_type = #tpu.core_type<tc>, window_params = [{transform_indices = @transform_0, window_bounds = array<i64: 32, 256>}, {pipeline_mode = #tpu.pipeline_mode<synchronous>, transform_indices = @transform_1, window_bounds = array<i64: 8192, 32>}, {transform_indices = @transform_2, window_bounds = array<i64: 256, 1>}, {pipeline_mode = #tpu.pipeline_mode<synchronous>, transform_indices = @transform_3, window_bounds = array<i64: 1, 8192>}, {transform_indices = @transform_4, window_bounds = array<i64: 1, 256, 1>}, {transform_indices = @transform_5, window_bounds = array<i64: 256, 32>}, {transform_indices = @transform_6, window_bounds = array<i64: 256, 1>}, {pipeline_mode = #tpu.pipeline_mode<synchronous>, transform_indices = @transform_7, window_bounds = array<i64: 1, 8192>}, {pipeline_mode = #tpu.pipeline_mode<synchronous>, transform_indices = @transform_8, window_bounds = array<i64: 8192, 32>}]} {
    %get3A = arith.constant 0 : index
    %get3A_0 = arith.constant 0 : index
    %get3A_1 = vector.load %arg1[%get3A, %get3A_0] : memref<32x256xf32, #tpu.memory_space<vmem>>, vector<32x256xf32>
    %transpose3A = tpu.transpose %get3A_1, [1, 0] : vector<32x256xf32> -> vector<256x32xf32>
    %swap3A = arith.constant 0 : index
    %swap3A_2 = arith.constant 0 : index
    %swap3A_3 = vector.load %arg10[%swap3A, %swap3A_2] : memref<256x32xf32, #tpu.memory_space<vmem>>, vector<256x32xf32>
    tpu.vector_store %arg10[%swap3A, %swap3A_2], %transpose3A {strides = array<i32>} : memref<256x32xf32, #tpu.memory_space<vmem>>, vector<256x32xf32>,
    %get3A_4 = arith.constant 0 : index
    %get3A_5 = arith.constant 0 : index
    %get3A_6 = vector.load %arg10[%get3A_4, %get3A_5] : memref<256x32xf32, #tpu.memory_space<vmem>>, vector<256x32xf32>
    %get3A_7 = arith.constant 0 : index
    %get3A_8 = arith.constant 0 : index
    %get3A_9 = vector.load %arg2[%get3A_7, %get3A_8] : memref<8192x32xf32, #tpu.memory_space<vmem>>, vector<8192x32xf32>
    %dot_general3A = arith.constant dense<0.000000e+00> : vector<256x8192xf32>
    %dot_general3A_10 = tpu.matmul %get3A_6, %get3A_9, %dot_general3A {dimension_numbers = #tpu.dot_dimension_numbers<[1], [1], [0], [0], [0, 0, 1, 0], [], []>, transpose_lhs_hint = false} : vector<256x32xf32>, vector<8192x32xf32>, vector<256x8192xf32> -> vector<256x8192xf32>
    %get3A_11 = arith.constant 0 : index
    %get3A_12 = arith.constant 0 : index
    %get3A_13 = vector.load %arg3[%get3A_11, %get3A_12] : memref<256x1xf32, #tpu.memory_space<vmem>>, vector<256x1xf32>
    %get3A_14 = arith.constant 0 : index
    %get3A_15 = arith.constant 0 : index
    %get3A_16 = vector.load %arg4[%get3A_14, %get3A_15] : memref<1x8192xf32, #tpu.memory_space<vmem>>, vector<1x8192xf32>
    %add3A = vector.broadcast %get3A_13 : vector<256x1xf32> to vector<256x8192xf32>
    %add3A_17 = vector.broadcast %get3A_16 : vector<1x8192xf32> to vector<256x8192xf32>
    %add3A_18 = arith.addf %add3A, %add3A_17 : vector<256x8192xf32>
    %mul3A = arith.constant 2.000000e+00 : f32
    %mul3A_19 = vector.broadcast %mul3A : f32 to vector<256x8192xf32>
    %mul3A_20 = arith.mulf %mul3A_19, %dot_general3A_10 : vector<256x8192xf32>
    %sub3A = arith.subf %add3A_18, %mul3A_20 : vector<256x8192xf32>
    %broadcast_in_dim3A = arith.constant 0x7F800000 : f32
    %broadcast_in_dim3A_21 = vector.broadcast %broadcast_in_dim3A : f32 to vector<256x1xf32>
    %broadcast_in_dim3A_22 = arith.constant 0 : i32
    %broadcast_in_dim3A_23 = vector.broadcast %broadcast_in_dim3A_22 : i32 to vector<256x1xi32>
    %slice3A = vector.extract_strided_slice %sub3A {offsets = [0, 0], sizes = [256, 4096], strides = [1, 1]} : vector<256x8192xf32> to vector<256x4096xf32>
    %reduce_min3A = arith.constant dense<0x7F800000> : vector<256xf32>
    %reduce_min3A_24 = vector.multi_reduction <minimumf>, %slice3A, %reduce_min3A [1] : vector<256x4096xf32> to vector<256xf32>
    %broadcast_in_dim3A_25 = vector.shape_cast %reduce_min3A_24 : vector<256xf32> to vector<256x1xf32>
    %iota3A = tpu.iota {dimensions = array<i32: 1>} : vector<256x4096xi32>
    %add3A_26 = arith.constant 0 : i32
    %add3A_27 = vector.broadcast %add3A_26 : i32 to vector<256x4096xi32>
    %add3A_28 = arith.addi %iota3A, %add3A_27 : vector<256x4096xi32>
    %eq3A = vector.broadcast %broadcast_in_dim3A_25 : vector<256x1xf32> to vector<256x4096xf32>
    %eq3A_29 = arith.cmpf oeq, %slice3A, %eq3A : vector<256x4096xf32>
    %jit3A = arith.constant 8192 : i32
    %broadcast_in_dim3A_30 = vector.broadcast %jit3A : i32 to vector<256x4096xi32>
    %select_n3A = arith.select %eq3A_29, %add3A_28, %broadcast_in_dim3A_30 : vector<256x4096xi1>, vector<256x4096xi32>
    %reduce_min3A_31 = arith.constant dense<2147483647> : vector<256xi32>
    %reduce_min3A_32 = vector.multi_reduction <minsi>, %select_n3A, %reduce_min3A_31 [1] : vector<256x4096xi32> to vector<256xi32>
    %broadcast_in_dim3A_33 = vector.shape_cast %reduce_min3A_32 : vector<256xi32> to vector<256x1xi32>
    %lt3A = arith.cmpf olt, %broadcast_in_dim3A_25, %broadcast_in_dim3A_21 : vector<256x1xf32>
    %convert_element_type3A = arith.truncf %broadcast_in_dim3A_25 : vector<256x1xf32> to vector<256x1xbf16>
    %convert_element_type3A_34 = arith.extf %convert_element_type3A : vector<256x1xbf16> to vector<256x1xf32>
    %select_n3A_35 = arith.select %lt3A, %convert_element_type3A_34, %broadcast_in_dim3A_21 : vector<256x1xi1>, vector<256x1xf32>
    %select_n3A_36 = arith.select %lt3A, %broadcast_in_dim3A_33, %broadcast_in_dim3A_23 : vector<256x1xi1>, vector<256x1xi32>
    %slice3A_37 = vector.extract_strided_slice %sub3A {offsets = [0, 4096], sizes = [256, 4096], strides = [1, 1]} : vector<256x8192xf32> to vector<256x4096xf32>
    %reduce_min3A_38 = arith.constant dense<0x7F800000> : vector<256xf32>
    %reduce_min3A_39 = vector.multi_reduction <minimumf>, %slice3A_37, %reduce_min3A_38 [1] : vector<256x4096xf32> to vector<256xf32>
    %broadcast_in_dim3A_40 = vector.shape_cast %reduce_min3A_39 : vector<256xf32> to vector<256x1xf32>
    %iota3A_41 = tpu.iota {dimensions = array<i32: 1>} : vector<256x4096xi32>
    %add3A_42 = arith.constant 4096 : i32
    %add3A_43 = vector.broadcast %add3A_42 : i32 to vector<256x4096xi32>
    %add3A_44 = arith.addi %iota3A_41, %add3A_43 : vector<256x4096xi32>
    %eq3A_45 = vector.broadcast %broadcast_in_dim3A_40 : vector<256x1xf32> to vector<256x4096xf32>
    %eq3A_46 = arith.cmpf oeq, %slice3A_37, %eq3A_45 : vector<256x4096xf32>
    %jit3A_47 = arith.constant 8192 : i32
    %broadcast_in_dim3A_48 = vector.broadcast %jit3A_47 : i32 to vector<256x4096xi32>
    %select_n3A_49 = arith.select %eq3A_46, %add3A_44, %broadcast_in_dim3A_48 : vector<256x4096xi1>, vector<256x4096xi32>
    %reduce_min3A_50 = arith.constant dense<2147483647> : vector<256xi32>
    %reduce_min3A_51 = vector.multi_reduction <minsi>, %select_n3A_49, %reduce_min3A_50 [1] : vector<256x4096xi32> to vector<256xi32>
    %broadcast_in_dim3A_52 = vector.shape_cast %reduce_min3A_51 : vector<256xi32> to vector<256x1xi32>
    %lt3A_53 = arith.cmpf olt, %broadcast_in_dim3A_40, %select_n3A_35 : vector<256x1xf32>
    %select_n3A_54 = arith.select %lt3A_53, %broadcast_in_dim3A_52, %select_n3A_36 : vector<256x1xi1>, vector<256x1xi32>
    %broadcast_in_dim3A_55 = vector.shape_cast %select_n3A_54 : vector<256x1xi32> to vector<1x256x1xi32>
    %swap3A_56 = arith.constant 0 : index
    %swap3A_57 = arith.constant 0 : index
    %swap3A_58 = arith.constant 0 : index
    %swap3A_59 = vector.load %arg5[%swap3A_56, %swap3A_57, %swap3A_58] : memref<1x256x1xi32, #tpu.memory_space<vmem>>, vector<1x256x1xi32>
    tpu.vector_store %arg5[%swap3A_56, %swap3A_57, %swap3A_58], %broadcast_in_dim3A_55 {strides = array<i32>} : memref<1x256x1xi32, #tpu.memory_space<vmem>>, vector<1x256x1xi32>,
    %swap3A_60 = arith.constant 0 : index
    %swap3A_61 = arith.constant 0 : index
    %swap3A_62 = vector.load %arg6[%swap3A_60, %swap3A_61] : memref<256x32xf32, #tpu.memory_space<vmem>>, vector<256x32xf32>
    tpu.vector_store %arg6[%swap3A_60, %swap3A_61], %get3A_6 {strides = array<i32>} : memref<256x32xf32, #tpu.memory_space<vmem>>, vector<256x32xf32>,
    %get3A_63 = arith.constant 0 : index
    %get3A_64 = arith.constant 0 : index
    %get3A_65 = vector.load %arg3[%get3A_63, %get3A_64] : memref<256x1xf32, #tpu.memory_space<vmem>>, vector<256x1xf32>
    %swap3A_66 = arith.constant 0 : index
    %swap3A_67 = arith.constant 0 : index
    %swap3A_68 = vector.load %arg7[%swap3A_66, %swap3A_67] : memref<256x1xf32, #tpu.memory_space<vmem>>, vector<256x1xf32>
    tpu.vector_store %arg7[%swap3A_66, %swap3A_67], %get3A_65 {strides = array<i32>} : memref<256x1xf32, #tpu.memory_space<vmem>>, vector<256x1xf32>,
    %get3A_69 = arith.constant 0 : index
    %get3A_70 = arith.constant 0 : index
    %get3A_71 = vector.load %arg4[%get3A_69, %get3A_70] : memref<1x8192xf32, #tpu.memory_space<vmem>>, vector<1x8192xf32>
    %swap3A_72 = arith.constant 0 : index
    %swap3A_73 = arith.constant 0 : index
    %swap3A_74 = vector.load %arg8[%swap3A_72, %swap3A_73] : memref<1x8192xf32, #tpu.memory_space<vmem>>, vector<1x8192xf32>
    tpu.vector_store %arg8[%swap3A_72, %swap3A_73], %get3A_71 {strides = array<i32>} : memref<1x8192xf32, #tpu.memory_space<vmem>>, vector<1x8192xf32>,
    %get3A_75 = arith.constant 0 : index
    %get3A_76 = arith.constant 0 : index
    %get3A_77 = vector.load %arg2[%get3A_75, %get3A_76] : memref<8192x32xf32, #tpu.memory_space<vmem>>, vector<8192x32xf32>
    %swap3A_78 = arith.constant 0 : index
    %swap3A_79 = arith.constant 0 : index
    %swap3A_80 = vector.load %arg9[%swap3A_78, %swap3A_79] : memref<8192x32xf32, #tpu.memory_space<vmem>>, vector<8192x32xf32>
    tpu.vector_store %arg9[%swap3A_78, %swap3A_79], %get3A_77 {strides = array<i32>} : memref<8192x32xf32, #tpu.memory_space<vmem>>, vector<8192x32xf32>,
    return
  }
  func.func @transform_0(%arg0: i32) -> (i32, i32) {
    %c0_i32 = arith.constant 0 : i32
    %c0_i32_0 = arith.constant 0 : i32
    return %c0_i32, %arg0 : i32, i32
  }
  func.func @transform_1(%arg0: i32) -> (i32, i32) {
    %c0_i32 = arith.constant 0 : i32
    %c0_i32_0 = arith.constant 0 : i32
    %c0_i32_1 = arith.constant 0 : i32
    return %c0_i32, %c0_i32_0 : i32, i32
  }
  func.func @transform_2(%arg0: i32) -> (i32, i32) {
    %c0_i32 = arith.constant 0 : i32
    %c0_i32_0 = arith.constant 0 : i32
    return %arg0, %c0_i32 : i32, i32
  }
  func.func @transform_3(%arg0: i32) -> (i32, i32) {
    %c0_i32 = arith.constant 0 : i32
    %c0_i32_0 = arith.constant 0 : i32
    %c0_i32_1 = arith.constant 0 : i32
    return %c0_i32, %c0_i32_0 : i32, i32
  }
  func.func @transform_4(%arg0: i32) -> (i32, i32, i32) {
    %c0_i32 = arith.constant 0 : i32
    %c0_i32_0 = arith.constant 0 : i32
    %c0_i32_1 = arith.constant 0 : i32
    return %arg0, %c0_i32, %c0_i32_0 : i32, i32, i32
  }
  func.func @transform_5(%arg0: i32) -> (i32, i32) {
    %c0_i32 = arith.constant 0 : i32
    %c0_i32_0 = arith.constant 0 : i32
    return %arg0, %c0_i32 : i32, i32
  }
  func.func @transform_6(%arg0: i32) -> (i32, i32) {
    %c0_i32 = arith.constant 0 : i32
    %c0_i32_0 = arith.constant 0 : i32
    return %arg0, %c0_i32 : i32, i32
  }
  func.func @transform_7(%arg0: i32) -> (i32, i32) {
    %c0_i32 = arith.constant 0 : i32
    %c0_i32_0 = arith.constant 0 : i32
    %c0_i32_1 = arith.constant 0 : i32
    return %c0_i32, %c0_i32_0 : i32, i32
  }
  func.func @transform_8(%arg0: i32) -> (i32, i32) {
    %c0_i32 = arith.constant 0 : i32
    %c0_i32_0 = arith.constant 0 : i32
    %c0_i32_1 = arith.constant 0 : i32
    return %c0_i32, %c0_i32_0 : i32, i32
  }
}

</mosaic_0001>

<sc_bundles>
// kernel: kernel.4.cloned.1.call-start
scs
__scs_entry_jumppad:
0x0: {  	(pc) =	sbr.rel $0x88, $3  }
0x1: {  	(tag) =	ssettag $0x0;
	lr =	simm.s32 $0x1  }
0x2: {  	[smem:$0x3F9D] =	sst lr;
	_ =	strace $0xD0000000  }
0x3: {  	_ = 	snop  }
0x4: {  	_ = 	snop  }
0x5: {  	_ = 	snop  }
0x6: {  	_ = 	snop  }
0x7: {  	_ = 	snop  }
__scs_overlays_trampoline_lowered:
0x8: {  	[smem:$0x3FAC] =	sst s0  }
0x9: {  	[smem:$0x3FAD] =	sst s1  }
0xa: {  	[smem:$0x3FAE] =	sst s2  }
0xb: {  	[smem:$0x3FAF] =	sst s3  }
0xc: {  	[smem:$0x3FB0] =	sst s4  }
0xd: {  	[smem:$0x3FB1] =	sst s5  }
0xe: {  	[smem:$0x3FB2] =	sst s6  }
0xf: {  	[smem:$0x3FB3] =	sst s7  }
0x10: {  	[smem:$0x3FB4] =	sst s8  }
0x11: {  	[smem:$0x3FB5] =	sst s9;
	s0 =	simm.s32 @!p0 $0x0  }
0x12: {  	s1 =	sld [smem:$0x3F9B];
	s0 =	simm.s32 @p0 $0x1  }
0x13: {  	[smem:$0x3FB6] =	sst s0;
	s0 =	simm.s32 @!p1 $0x0  }
0x14: {  	s2 =	sld [smem:$0x3F9A];
	s0 =	simm.s32 @p1 $0x1  }
0x15: {  	[smem:$0x3FB7] =	sst s0;
	s0 =	simm.s32 @!p2 $0x0  }
0x16: {  	s3 =	sld [smem:$0x3FDB];
	s0 =	simm.s32 @p2 $0x1  }
0x17: {  	s4 =	simm.s32 $0x1BF5;
	[smem:$0x3FB9] =	sst s0  }
0x18: {  	s0 =	sld [smem:$0x3F9C];
	_ =	swait.ge [sflag:s4], $0x0  }
0x19: {  	s7 =	sld [smem:$0x3F9D]  }
0x1a: {  	s8 =	sadd.s32 $0xFFFFE003, lr  }
0x1b: {  	s9 =	sadd.s32 $0xFFFFFEF7, lr;
	s5 =	simm.s32 $0xFFFFFFFF;
	p2 =	slt.u32 s8, $0xFFFFF086  }
0x1c: {  	p1 =	slt.u32 s9, $0xF7A;
	s5 =	simm.s32 @!p2 $0x0  }
0x1d: {  	s5 =	simm.s32 @p1 $0x1;
	p0 =	seq.s32 s7, s2  }
0x1e: {  	s7 =	smul.u32 @!p0 $0xF7A, s2;
	p2 =	seq.s32 @!p0 s5, $0x0  }
0x1f: {  	s9 =	smul.u32 $0xF7A, s1;
	s8 =	simm.s32 @!p0 $0x1BF5;
	p2 =	por !p2, p0  }
0x20: {  	[sflag:s8] =	ssyncset.s32 @!p0 $0xFFFFF086;
	s6 =	sadd.s32 @!p0 s3, s7;
	s7 =	simm.s32 @!p0 $0x108  }
0x21: {  	s3 =	sadd.s32 s3, s9;
	s6 =	sadd.s32 @!p0 $0x88, s6;
	s7 =	simm.s32 @p2 $0x1082  }
0x22: {  	[simem:s7], [sflag:s8] =	dma.local @!p0 [hbm:s6], $0xF7A  }
0x23: {  	s9 =	sor.u32 $0xD0000000, s2;
	s6 =	simm.s32 $0x108;
	_ =	swait.ge @!p0 [sflag:s8], $0x0  }
0x24: {  	s3 =	sadd.s32 $0x88, s3;
	s6 =	simm.s32 @!p1 $0x1082;
	[sflag:s4] =	ssyncset.s32 $0xFFFFF086  }
0x25: {  	[simem:s6], [sflag:s4] =	dma.local [hbm:s3], $0xF7A  }
0x26: {  	[smem:$0x3F9D] =	sst s1;
	(tag) =	ssettag s2;
	_ =	strace s9  }
0x27: {  	s1 =	sld [smem:$0x3FAD]  }
0x28: {  	s2 =	sld [smem:$0x3FAE]  }
0x29: {  	s4 =	sld [smem:$0x3FB0]  }
0x2a: {  	p0 =	seq.s32 s5, $0x0;
	s5 =	sld [smem:$0x3FB1]  }
0x2b: {  	s6 =	sld [smem:$0x3FB2]  }
0x2c: {  	s7 =	sld [smem:$0x3FB3]  }
0x2d: {  	s3 =	simm.s32 $0x108;
	s8 =	sld [smem:$0x3FB4]  }
0x2e: {  	s3 =	simm.s32 @!p0 $0x1082;
	s9 =	sld [smem:$0x3FB5]  }
0x2f: {  	lr =	sadd.s32 s0, s3;
	s0 =	sld [smem:$0x3FAC]  }
0x30: {  	s3 =	sld [smem:$0x3FAF]  }
0x31: {  	[smem:$0x3FB8] =	sst s10  }
0x32: {  	s10 =	sld [smem:$0x3FB6];
	_ =	sdelay $0x3  }
0x33: {  	p0 =	seq.s32 s10, $0x1;
	s10 =	sld [smem:$0x3FB8];
	_ =	sdelay $0x3  }
0x34: {  	[smem:$0x3FB8] =	sst s10  }
0x35: {  	s10 =	sld [smem:$0x3FB7];
	_ =	sdelay $0x3  }
0x36: {  	p1 =	seq.s32 s10, $0x1;
	s10 =	sld [smem:$0x3FB8];
	_ =	sdelay $0x3  }
0x37: {  	[smem:$0x3FB8] =	sst s10  }
0x38: {  	s10 =	sld [smem:$0x3FB9]  }
0x39: {  	_ = 	snop;
	(pc) =	sbr.ind lr, $3  }
0x3a: {  	_ = 	snop  }
0x3b: {  	_ = 	snop  }
0x3c: {  	p2 =	seq.s32 s10, $0x1;
	s10 =	sld [smem:$0x3FB8]  }
0x3d: {  	_ =	shalt  }
0x3e: {  	_ =	shalt  }
0x3f: {  	_ =	shalt  }
0x40: {  	_ =	shalt  }
0x41: {  	_ =	shalt  }
0x42: {  	_ =	shalt  }
0x43: {  	_ =	shalt  }
0x44: {  	_ =	shalt  }
0x45: {  	_ =	shalt  }
0x46: {  	_ =	shalt  }
0x47: {  	_ =	shalt  }
0x48: {  	_ =	shalt  }
0x49: {  	_ =	shalt  }
0x4a: {  	_ =	shalt  }
0x4b: {  	_ =	shalt  }
0x4c: {  	_ =	shalt  }
0x4d: {  	_ =	shalt  }
0x4e: {  	_ =	shalt  }
0x4f: {  	_ =	shalt  }
0x50: {  	_ =	shalt  }
0x51: {  	_ =	shalt  }
0x52: {  	_ =	shalt  }
0x53: {  	_ =	shalt  }
0x54: {  	_ =	shalt  }
0x55: {  	_ =	shalt  }
0x56: {  	_ =	shalt  }
0x57: {  	_ =	shalt  }
0x58: {  	_ =	shalt  }
0x59: {  	_ =	shalt  }
0x5a: {  	_ =	shalt  }
0x5b: {  	_ =	shalt  }
0x5c: {  	_ =	shalt  }
0x5d: {  	_ =	shalt  }
0x5e: {  	_ =	shalt  }
0x5f: {  	_ =	shalt  }
0x60: {  	_ =	shalt  }
0x61: {  	_ =	shalt  }
0x62: {  	_ =	shalt  }
0x63: {  	_ =	shalt  }
0x64: {  	_ =	shalt  }
0x65: {  	_ =	shalt  }
0x66: {  	_ =	shalt  }
0x67: {  	_ =	shalt  }
0x68: {  	_ =	shalt  }
0x69: {  	_ =	shalt  }
0x6a: {  	_ =	shalt  }
0x6b: {  	_ =	shalt  }
0x6c: {  	_ =	shalt  }
0x6d: {  	_ =	shalt  }
0x6e: {  	_ =	shalt  }
0x6f: {  	_ =	shalt  }
0x70: {  	_ =	shalt  }
0x71: {  	_ =	shalt  }
0x72: {  	_ =	shalt  }
0x73: {  	_ =	shalt  }
0x74: {  	_ =	shalt  }
0x75: {  	_ =	shalt  }
0x76: {  	_ =	shalt  }
0x77: {  	_ =	shalt  }
0x78: {  	_ =	shalt  }
0x79: {  	_ =	shalt  }
0x7a: {  	_ =	shalt  }
0x7b: {  	_ =	shalt  }
0x7c: {  	_ =	shalt  }
0x7d: {  	_ =	shalt  }
0x7e: {  	_ =	shalt  }
0x7f: {  	_ =	shalt  }
0x80: {  	_ =	shalt  }
0x81: {  	_ =	shalt  }
0x82: {  	_ =	shalt  }
0x83: {  	_ =	shalt  }
0x84: {  	_ =	shalt  }
0x85: {  	_ =	shalt  }
0x86: {  	_ =	shalt  }
0x87: {  	_ =	shalt  }
.Lfunc_end0:
.L_simem_size_0:
called_computation_lowered:
.L_overlay_start_0:
0x88: {  	s2 =	sld [smem:$0x3FD9]  }
0x89: {  	s3 =	sld [smem:$0x3FFE];
	_ =	sdelay $0x1  }
0x8a: {  	s1 =	srdreg.scid  }
0x8b: {  	s0 =	sand.u32 $0x1, s1  }
0x8c: {  	s17 =	sshll.u32 s0, $0xA;
	s2 =	sadd.s32 s3, s2  }
0x8d: {  	s2 =	sadd.s32 s2, s17  }
0x8e: {  	[smem:$0x3FC4] =	sst s2  }
0x8f: {  	_ = 	snop  }
0x90: {  	s2 =	sld [smem:$0x3FD0];
	(tm) =	ssettm $0x1  }
0x91: {  	s18 =	sld [smem:$0x3FFB];
	_ =	sdelay $0x3  }
0x92: {  	_ =	strace s18  }
0x93: {  	s3 =	sld [smem:$0x3FFC];
	_ =	sdelay $0x3  }
0x94: {  	_ =	strace s3  }
0x95: {  	s3 =	sld [smem:$0x3FFD];
	_ =	sdelay $0x3  }
0x96: {  	_ =	strace s3  }
0x97: {  	_ =	strace $0x8FFFFFFF  }
0x98: {  	s19 =	sld [smem:$0x3FDB];
	_ =	sdelay $0x1  }
0x99: {  	s4 =	simm.s32 $_scs_section_size  }
0x9a: {  	s5 =	simm.s32 $_size__tile_overlayer_lowered;
	s6 =	simm.s32 $_tile_overlayer_lowered  }
0x9b: {  	s22 =	simm.s32 $0x1BFF;
	s21 =	sshll.u32 s6, $0x1;
	s3 =	sadd.s32 s4, s19  }
0x9c: {  	s7 =	simm.s32 $0x0;
	s20 =	sshll.u32 s5, $0x1;
	s5 =	sadd.s32 s21, s3  }
0x9d: {  	[timem:s7], [sflag:s22] =	dma.local [hbm:s5], s20  }
0x9e: {  	_ =	swait.ge [sflag:s22], s20  }
0x9f: {  	s4 =	ssub.s32 $0x0, s20;
	[sflag:s22] =	ssyncset.done $0x0  }
0xa0: {  	[sflag:s22] =	ssyncadd.s32 s4;
	_ =	sdelay $0x1  }
0xa1: {  	s23 =	simm.s32 $0x1B8B  }
0xa2: {  	_ =	swait.ge [sflag:s23], $0x1  }
0xa3: {  	[sflag:s23] =	ssyncset.done $0x0  }
0xa4: {  	s25 =	simm.s32 $0x1B8E;
	s24 =	sld [smem:$0x3FFE];
	[sflag:s23] =	ssyncadd.s32 $0xFFFFFFFF  }
0xa5: {  	s26 =	simm.s32 $execute0_lowered;
	[smem:$0x3FD2] =	sst s25  }
0xa6: {  	s5 =	sshll.u32 s26, $0x1;
	_ =	strace $0x80000046;
	[dreg:$0x1] =	wrdreg $0xFFFFFFFF  }
0xa7: {  	s28 =	simm.s32 $_size_execute0_lowered;
	s3 =	sadd.s32 s3, s5;
	[dreg:$0x0] =	wrdreg $0x0  }
0xa8: {  	s5 =	sshll.u32 s28, $0x1;
	[dreg:$0x2] =	wrdreg s3  }
0xa9: {  	[dreg:$0x3] =	wrdreg s5  }
0xaa: {  	[dreg:$0x4] =	wrdreg $0xC0  }
0xab: {  	_ =	task [dreg:s7], $0x5FFFF  }
0xac: {  	[dreg:$0x1] =	wrdreg $0xFFFFFFFF  }
0xad: {  	[dreg:$0x0] =	wrdreg $0x60  }
0xae: {  	[dreg:$0x2] =	wrdreg s24  }
0xaf: {  	[dreg:$0x3] =	wrdreg s2  }
0xb0: {  	[dreg:$0x4] =	wrdreg $0x9  }
0xb1: {  	_ =	task.clear_ibuf [dreg:s7], $0x5FFFF;
	_ =	strace $0x90000046  }
0xb2: {  	s29 =	simm.s32 $0x9;
	_ =	strace $0x80000048  }
0xb3: {  	_ =	swait.ge [sflag:s29], $0x1  }
0xb4: {  	[sflag:s29] =	ssyncadd.s32 $0xFFFFFFFF  }
0xb5: {  	_ =	strace $0x90000048  }
0xb6: {  	_ =	sfence  }
0xb7: {  	s30 =	sld [smem:$0x0];
	_ =	sdelay $0x2  }
0xb8: {  	s31 =	sshll.u32 s1, $0xD;
	s1 =	sshrl.u32 s1, $0x2  }
0xb9: {  	s3 =	sand.u32 $0x4000, s31;
	s1 =	sadd.s32 s1, s30  }
0xba: {  	s0 =	sor.u32 s3, s0;
	s1 =	sshll.u32 s1, $0x11  }
0xbb: {  	s0 =	sor.u32 s1, s0  }
0xbc: {  	s0 =	sadd.s32 $0x8F2B, s0  }
0xbd: {  	[sflag:s0] =	ssyncadd.remote.s32 $0x1  }
0xbe: {  	_ =	sfence.sel $0xFFFF  }
0xbf: {  	[dreg:$0x0] =	wrdreg $0xFFFFFFFF;
	(pc) =	sbr.abs _section_cstart, $3  }
0xc0: {  	[dreg:$0x1] =	wrdreg $0xFFFFFFFF  }
0xc1: {  	_ =	task.clear_ibuf [dreg:s7], $0x2FFFF;
	_ =	strace $0x9FFFFFFF  }
0xc2: {  	(tm) =	ssettm $0x7FFFFFFF  }
0xc3: {  	_ =	shalt  }
tec
execute0_lowered:
.L_overlay_start_1:
0x0: {  	(tag) =	ssettag $0x1  }
0x1: {  	s1 =	srdreg.scid  }
0x2: {  	s0 =	stileid.u32;
	s12 =	sand.u32 $0x1, s1  }
0x3: {  	s5 =	rddreg [dreg:$0x0];
	s30 =	sshll.u32 s0, $0xA;
	s2 =	sshll.u32 s12, $0x9  }
0x4: {  	s14 =	rddreg [dreg:$0x1];
	s15 =	sor.u32 s2, s30  }
0x5: {  	s1 =	rddreg [dreg:$0x2];
	s2 =	simm.s32 $0x0;
	s3 =	sshrl.u32 s15, $0x3  }
0x6: {  	[smem:$0x7FF] =	sst s2;
	s3 =	sadd.s32 s3, s5  }
0x7: {  	_ =	strace $0x80000047;
	s4 =	sadd.s32 $0x800, s3;
	s3 =	simm.s32 $0x2  }
0x8: {  	[tilespmem:s2], [sflag:$0x2] =	stream.linear.gather [hbm4b:s4+s2], $0x200, $0x38;
	[tilespmem:$0x4200] =	vst v63  }
0x9: {  	_ =	swait.ge [sflag:s3], $0x200  }
0xa: {  	s6 =	simm.s32 $0x80;
	s7 =	simm.s32 $0x200;
	[sflag:s3] =	ssyncset.done $0x0  }
0xb: {  	s8 =	simm.s32 $0x1;
	s5 =	sadd.s32 $0x1000, s5;
	[sflag:s3] =	ssyncadd.s32 $0xFFFFFE00  }
0xc: {  	[tilespmem:s7], [sflag:$0x1] =	stream.indirect.gather [hbm4b:s5+s6], $0x20, s2, s6, $0xb8;
	[tilespmem:$0x4200] =	vst v63  }
0xd: {  	_ =	swait.ge [sflag:s8], $0x1000  }
0xe: {  	[sflag:s8] =	ssyncset.done $0x0  }
0xf: {  	s9 =	simm.s32 $0x1200;
	[sflag:s8] =	ssyncadd.s32 $0xFFFFF000  }
0x10: {  	[tilespmem:s9], [sflag:$0x1] =	stream.indirect.gather [hbm4b:s5+s6], $0x20, s6, s6, $0xb8;
	[tilespmem:$0x4200] =	vst v63  }
0x11: {  	_ =	swait.ge [sflag:s8], $0x1000  }
0x12: {  	s10 =	simm.s32 $0x100;
	[sflag:s8] =	ssyncset.done $0x0  }
0x13: {  	s11 =	simm.s32 $0x2200;
	s16 =	ssub.s32 $0x2, s12;
	[sflag:s8] =	ssyncadd.s32 $0xFFFFF000  }
0x14: {  	[tilespmem:s11], [sflag:$0x1] =	stream.indirect.gather [hbm4b:s5+s6], $0x20, s10, s6, $0xb8;
	[tilespmem:$0x4200] =	vst v63  }
0x15: {  	s17 =	sshrl.u32 s16, $0x1;
	_ =	swait.ge [sflag:s8], $0x1000  }
0x16: {  	s13 =	simm.s32 $0x3200;
	s16 =	ssub.s32 s16, s17;
	[sflag:s8] =	ssyncset.done $0x0  }
0x17: {  	s12 =	simm.s32 $0x180;
	s31 =	smax.u32 s16, $0x1;
	[sflag:s8] =	ssyncadd.s32 $0xFFFFF000  }
0x18: {  	[tilespmem:s13], [sflag:$0x1] =	stream.indirect.gather [hbm4b:s5+s6], $0x20, s12, s6, $0xb8;
	[tilespmem:$0x4200] =	vst v63  }
0x19: {  	p0 =	sne.s32 s31, $0x1;
	_ =	swait.ge [sflag:s8], $0x1000  }
.Ltmp0:
0x1a: {  	s15 =	sshll.u32 s15, $0x2;
	[sflag:s8] =	ssyncset.done $0x0;
	(pc) =	sbr.rel @!p0 .LBB2_2-.Ltmp0, $4  }
0x1b: {  	s14 =	sadd.s32 s14, s15;
	[sflag:s8] =	ssyncadd.s32 $0xFFFFF000  }
0x1c: {  	[hbm4b:s14+s2] =	stream.linear.scatter [tilespmem:s7], [sflag:$0x2], $0x4000, $0x38;
	[tilespmem:$0x4200] =	vst v63  }
0x1d: {  	_ =	swait.ge [sflag:s3], $0x4000  }
0x1e: {  	s15 =	sadd.s32 $0xFFFFFFFF, s31;
	[sflag:s3] =	ssyncset.done $0x0  }
.LBB2_1:
0x1f: {  	p0 =	sne.s32 s15, $0x1;
	s15 =	sadd.s32 $0xFFFFFFFF, s15;
	[sflag:s3] =	ssyncadd.s32 $0xFFFFC000  }
0x20: {  	[tilespmem:s2], [sflag:$0x2] =	stream.linear.gather [hbm4b:s4+s2], $0x200, $0x38;
	[tilespmem:$0x4200] =	vst v63  }
0x21: {  	_ =	swait.ge [sflag:s3], $0x200  }
0x22: {  	[sflag:s3] =	ssyncset.done $0x0  }
0x23: {  	[sflag:s3] =	ssyncadd.s32 $0xFFFFFE00  }
0x24: {  	[tilespmem:s7], [sflag:$0x1] =	stream.indirect.gather [hbm4b:s5+s6], $0x20, s2, s6, $0xb8;
	[tilespmem:$0x4200] =	vst v63  }
0x25: {  	_ =	swait.ge [sflag:s8], $0x1000  }
0x26: {  	[sflag:s8] =	ssyncset.done $0x0  }
0x27: {  	[sflag:s8] =	ssyncadd.s32 $0xFFFFF000  }
0x28: {  	[tilespmem:s9], [sflag:$0x1] =	stream.indirect.gather [hbm4b:s5+s6], $0x20, s6, s6, $0xb8;
	[tilespmem:$0x4200] =	vst v63  }
0x29: {  	_ =	swait.ge [sflag:s8], $0x1000  }
0x2a: {  	[sflag:s8] =	ssyncset.done $0x0  }
0x2b: {  	[sflag:s8] =	ssyncadd.s32 $0xFFFFF000  }
0x2c: {  	[tilespmem:s11], [sflag:$0x1] =	stream.indirect.gather [hbm4b:s5+s6], $0x20, s10, s6, $0xb8;
	[tilespmem:$0x4200] =	vst v63  }
0x2d: {  	_ =	swait.ge [sflag:s8], $0x1000  }
0x2e: {  	[sflag:s8] =	ssyncset.done $0x0  }
0x2f: {  	[sflag:s8] =	ssyncadd.s32 $0xFFFFF000  }
0x30: {  	[tilespmem:s13], [sflag:$0x1] =	stream.indirect.gather [hbm4b:s5+s6], $0x20, s12, s6, $0xb8;
	[tilespmem:$0x4200] =	vst v63  }
0x31: {  	_ =	swait.ge [sflag:s8], $0x1000  }
.Ltmp1:
0x32: {  	[sflag:s8] =	ssyncset.done $0x0;
	(pc) =	sbr.rel @p0 .LBB2_1-.Ltmp1, $4  }
0x33: {  	[sflag:s8] =	ssyncadd.s32 $0xFFFFF000  }
0x34: {  	[hbm4b:s14+s2] =	stream.linear.scatter [tilespmem:s7], [sflag:$0x2], $0x4000, $0x38;
	[tilespmem:$0x4200] =	vst v63  }
0x35: {  	_ =	swait.ge [sflag:s3], $0x4000  }
0x36: {  	[sflag:s3] =	ssyncset.done $0x0  }
.LBB2_2:
0x37: {  	[sflag:s3] =	ssyncadd.s32 $0xFFFFC000  }
0x38: {  	_ =	sfence.sel $0x180000  }
0x39: {  	[bflag:$0x0] =	sbarrier.arrive $0xFFFF  }
0x3a: {  	p0 =	sne.s32 s0, $0x0;
	_ =	strace $0x90000047  }
0x3b: {  	s0 =	sadd.s32 @!p0 $0x100000, s1;
	[bflag:$0x2] =	sbarrier.arrive $0xFFFF  }
0x3c: {  	[sflag:s0] =	ssyncadd.tile.s32 @!p0 $0x1;
	_ =	shalt  }
.Lfunc_end2:
_tile_overlayer_lowered:
.L_overlay_start_2:
0x3d: {  	(tag) =	ssettag $0x2  }
0x3e: {  	s0 =	rddreg [dreg:$0x0];
	s2 =	stileid.u32  }
0x3f: {  	s1 =	rddreg [dreg:$0x1];
	p0 =	sne.s32 s2, $0x0  }
0x40: {  	s3 =	rddreg [dreg:$0x2];
	[bflag:$0x3] =	sbarrier.arrive $0xFFFF;
	s2 =	simm.s32 @!p0 $0x1C02  }
0x41: {  	[timem:s3], [sflag:s2] =	dma.local @!p0 [hbm:s0], s1  }
0x42: {  	s0 =	simm.s32 @!p0 $0x2  }
0x43: {  	_ =	swait.ge @!p0 [sflag:s0], s1  }
0x44: {  	s1 =	ssub.s32 @!p0 $0x0, s1;
	[sflag:s0] =	ssyncset.done @!p0 $0x0  }
0x45: {  	[sflag:s0] =	ssyncadd.s32 @!p0 s1  }
0x46: {  	[bflag:$0x3] =	sbarrier.arrive $0xFFFF  }
0x47: {  	_ =	shalt  }

</sc_bundles>
